<compile_context>
chip_gen: v7x
topology: tpu7x:2x2x1
jax: 0.10.2.dev20260603
libtpu: 0.0.44.dev20260713+nightly
codegen_flags: <defaults>
</compile_context>

<pallas_src>
import functools

import jax
import jax.numpy as jnp
from jax import lax
from jax.experimental import pallas as pl
from jax.experimental.pallas import tpu as pltpu
from jax.experimental.pallas import tpu_sc as plsc

E = 16
DIM = 1024
INTER = 512
T = 32
A = 2

_NC = 2
_NS = 16
_B = T * A
_BPW = 16
_NW = _B // _BPW


def _moe_dense_kernel(x_ref, w1_ref, w2_ref, out_ref):
    x = x_ref[...]
    h = jnp.dot(x, w1_ref[0], preferred_element_type=jnp.float32)
    gate = h[:, :INTER]
    up = h[:, INTER:]
    act = (gate * jax.nn.sigmoid(gate)) * up
    out_ref[0] = jnp.dot(act, w2_ref[0], preferred_element_type=jnp.float32)


_sc_mesh = plsc.VectorSubcoreMesh(core_axis_name="c", subcore_axis_name="s")


@functools.partial(
    pl.kernel,
    mesh=_sc_mesh,
    out_type=jax.ShapeDtypeStruct((_B, DIM), jnp.float32),
    scratch_types=[
        pltpu.VMEM((_BPW,), jnp.int32),
        pltpu.VMEM((_BPW,), jnp.int32),
        pltpu.VMEM((_BPW, DIM), jnp.float32),
        pltpu.SemaphoreType.DMA,
    ],
)
def _sc_route_gather(table_hbm, ei_hbm, out_hbm, ei_v, idx_v, rows_v, sem):
    wid = lax.axis_index("s") * _NC + lax.axis_index("c")

    @pl.when(wid < _NW)
    def _():
        base = wid * _BPW
        pltpu.sync_copy(ei_hbm.at[pl.ds(base, _BPW)], ei_v)
        ei = ei_v[...]
        b = base + lax.iota(jnp.int32, _BPW)
        tok = lax.shift_right_logical(b, 1)
        idx_v[...] = ei * T + tok
        pltpu.async_copy(table_hbm.at[idx_v], rows_v, sem).wait()
        pltpu.sync_copy(rows_v, out_hbm.at[pl.ds(base, _BPW)])


def kernel(x, expert_indices, w1, w2):
    dense = pl.pallas_call(
        _moe_dense_kernel,
        grid=(E,),
        in_specs=[
            pl.BlockSpec((T, DIM), lambda e: (0, 0)),
            pl.BlockSpec((1, DIM, 2 * INTER), lambda e: (e, 0, 0)),
            pl.BlockSpec((1, INTER, DIM), lambda e: (e, 0, 0)),
        ],
        out_specs=pl.BlockSpec((1, T, DIM), lambda e: (e, 0, 0)),
        out_shape=jax.ShapeDtypeStruct((E, T, DIM), jnp.float32),
    )(x, w1, w2)

    table = dense.reshape(E * T, DIM)
    ei_flat = expert_indices.astype(jnp.int32).reshape(_B)
    out = _sc_route_gather(table, ei_flat)
    return out.reshape(T, A, DIM)

# --- scband reference (transcript-rebuilt; emitter-appended) ---
"""Pipeline reference for scband-llama4-conditional-feed-forward-29368986370066 (READ-ONLY COPY).

The authoritative reference and input builder live on the scoring server;
editing this copy changes nothing except your own understanding.
"""

import jax, jax.numpy as jnp
import numpy as np

E = 16
DIM = 1024
INTER = 512
T = 32
A = 2

def setup_inputs(seed: int = 0) -> dict:
    key = jax.random.key(seed)
    k1, k2, k3, k4 = jax.random.split(key, 4)
    x = jax.random.normal(k1, (T, DIM), dtype=jnp.float32)
    expert_indices = jax.random.randint(k2, (T, A), 0, E)
    w1 = jax.random.normal(k3, (E, DIM, 2 * INTER), dtype=jnp.float32) * 0.02
    w2 = jax.random.normal(k4, (E, INTER, DIM), dtype=jnp.float32) * 0.02
    return {"x": x, "expert_indices": expert_indices, "w1": w1, "w2": w2}

def reference(x, expert_indices, w1, w2):
    # gather per-token expert weights: [T, A, DIM, 2*INTER] and [T, A, INTER, DIM]
    gate_up_weights = jnp.take(w1, expert_indices, axis=0)
    down_weights = jnp.take(w2, expert_indices, axis=0)
    gate_up = jnp.einsum('ti,taio->tao', x, gate_up_weights)
    gate, up = jnp.split(gate_up, 2, axis=-1)
    activated = jax.nn.silu(gate) * up
    expert_outs = jnp.einsum('tao,taoi->tai', activated, down_weights)
    return expert_outs

if __name__ == "__main__":
    import jax
    _d = setup_inputs()
    print(jax.jit(kernel)(*tuple(_d.values())))

</pallas_src>

<mosaic_0001>
#map = affine_map<(d0, d1) -> (0, 0)>
#map1 = affine_map<(d0, d1) -> (0)>
module attributes {stable_mosaic.version = 14 : i64} {
  func.func @_sc_route_gather(%arg0: i32, %arg1: i32, %arg2: memref<512x1024xf32, #tpu.memory_space<hbm>>, %arg3: memref<64xi32, #tpu.memory_space<hbm>>, %arg4: memref<64x1024xf32, #tpu.memory_space<hbm>>, %arg5: memref<16xi32, #tpu.memory_space<vmem>>, %arg6: memref<16xi32, #tpu.memory_space<vmem>>, %arg7: memref<16x1024xf32, #tpu.memory_space<vmem>>, %arg8: memref<!tpu.dma_semaphore, #tpu.memory_space<semaphore_mem>>) attributes {dimension_semantics = [#tpu.dimension_semantics<core_parallel>, #tpu.dimension_semantics<subcore_parallel>], iteration_bounds = array<i64: 2, 16>, scalar_prefetch = 0 : i64, scratch_operands = 4 : i64, tpu.core_type = #tpu.core_type<sc_vector_subcore>, window_params = [{transform_indices = #map}, {transform_indices = #map1}, {transform_indices = #map}]} {
    %mul3A = arith.constant 2 : i32
    %mul3A_0 = arith.muli %arg1, %mul3A : i32
    %add3A = arith.addi %mul3A_0, %arg0 : i32
    %lt3A = arith.constant 4 : i32
    %lt3A_1 = arith.cmpi slt, %add3A, %lt3A : i32
    %convert_element_type3A = arith.extui %lt3A_1 : i1 to i32
    %cond3A = arith.constant 0 : i32
    %cond3A_2 = arith.cmpi ne, %convert_element_type3A, %cond3A : i32
    scf.if %cond3A_2 {
      %mul3A_3 = arith.constant 16 : i32
      %mul3A_4 = arith.muli %add3A, %mul3A_3 : i32
      "tpu.region"() ({
        %run_scoped3A = tpu.sem_alloc : memref<!tpu.dma_semaphore, #tpu.memory_space<semaphore_mem>>
        %dma_start3A_22 = tpu.memref_slice %arg3[%mul3A_4] : memref<64xi32, #tpu.memory_space<hbm>> -> memref<16xi32, #tpu.memory_space<hbm>>
        %dma_start3A_23 = tpu.memref_slice %arg3[%mul3A_4] : memref<64xi32, #tpu.memory_space<hbm>> -> memref<16xi32, #tpu.memory_space<hbm>>
        tpu.enqueue_dma source(%dma_start3A_23 : memref<16xi32, #tpu.memory_space<hbm>>) target(%arg5 : memref<16xi32, #tpu.memory_space<vmem>>) target_semaphore(%run_scoped3A : memref<!tpu.dma_semaphore, #tpu.memory_space<semaphore_mem>>)
        %dma_wait3A_24 = tpu.memref_slice %arg3[%mul3A_4] : memref<64xi32, #tpu.memory_space<hbm>> -> memref<16xi32, #tpu.memory_space<hbm>>
        %dma_wait3A_25 = tpu.memref_slice %arg3[%mul3A_4] : memref<64xi32, #tpu.memory_space<hbm>> -> memref<16xi32, #tpu.memory_space<hbm>>
        tpu.wait_dma2 semaphore(%run_scoped3A : memref<!tpu.dma_semaphore, #tpu.memory_space<semaphore_mem>>) src(%dma_wait3A_25 : memref<16xi32, #tpu.memory_space<hbm>>) dst(%arg5 : memref<16xi32, #tpu.memory_space<vmem>>)
        tpu.yield
      }) : () -> ()
      %get3A = arith.constant 0 : index
      %get3A_5 = tpu.vector_load %arg5[%get3A] {strides = array<i32>} : memref<16xi32, #tpu.memory_space<vmem>>, vector<16xi32>,
      %get3A_6 = vector.shape_cast %get3A_5 : vector<16xi32> to vector<16xi32>
      %iota3A = tpu.iota {dimensions = array<i32: 0>} : vector<16xi32>
      %add3A_7 = vector.broadcast %mul3A_4 : i32 to vector<16xi32>
      %add3A_8 = arith.addi %add3A_7, %iota3A : vector<16xi32>
      %shift_right_logical3A = arith.constant 1 : i32
      %shift_right_logical3A_9 = vector.broadcast %shift_right_logical3A : i32 to vector<16xi32>
      %shift_right_logical3A_10 = arith.shrui %add3A_8, %shift_right_logical3A_9 : vector<16xi32>
      %mul3A_11 = arith.constant 32 : i32
      %mul3A_12 = vector.broadcast %mul3A_11 : i32 to vector<16xi32>
      %mul3A_13 = arith.muli %get3A_6, %mul3A_12 : vector<16xi32>
      %add3A_14 = arith.addi %mul3A_13, %shift_right_logical3A_10 : vector<16xi32>
      %swap3A = arith.constant 0 : index
      %swap3A_15 = tpu.vector_load %arg6[%swap3A] {strides = array<i32>} : memref<16xi32, #tpu.memory_space<vmem>>, vector<16xi32>,
      %swap3A_16 = vector.shape_cast %swap3A_15 : vector<16xi32> to vector<16xi32>
      %swap3A_17 = vector.shape_cast %add3A_14 : vector<16xi32> to vector<16xi32>
      tpu.vector_store %arg6[%swap3A], %swap3A_17 {strides = array<i32>} : memref<16xi32, #tpu.memory_space<vmem>>, vector<16xi32>,
      %dma_start3A = arith.constant 0 : i32
      %dma_start3A_18 = arith.constant 0 : i32
      %dma_start3A_19 = tpu.memref_slice %arg2[%dma_start3A, %dma_start3A_18] : memref<512x1024xf32, #tpu.memory_space<hbm>> -> memref<512x1024xf32, #tpu.memory_space<hbm>>
      tpu.enqueue_indirect_dma source(%dma_start3A_19 : memref<512x1024xf32, #tpu.memory_space<hbm>>) target(%arg7 : memref<16x1024xf32, #tpu.memory_space<vmem>>) offsets(%arg6 : memref<16xi32, #tpu.memory_space<vmem>>) semaphore(%arg8 : memref<!tpu.dma_semaphore, #tpu.memory_space<semaphore_mem>>)
      %dma_wait3A = arith.constant 0 : i32
      %dma_wait3A_20 = arith.constant 0 : i32
      %dma_wait3A_21 = tpu.memref_slice %arg2[%dma_wait3A, %dma_wait3A_20] : memref<512x1024xf32, #tpu.memory_space<hbm>> -> memref<512x1024xf32, #tpu.memory_space<hbm>>
      tpu.wait_indirect_dma semaphore(%arg8 : memref<!tpu.dma_semaphore, #tpu.memory_space<semaphore_mem>>) src(%dma_wait3A_21 : memref<512x1024xf32, #tpu.memory_space<hbm>>) dst(%arg7 : memref<16x1024xf32, #tpu.memory_space<vmem>>)
      "tpu.region"() ({
        %run_scoped3A = tpu.sem_alloc : memref<!tpu.dma_semaphore, #tpu.memory_space<semaphore_mem>>
        %dma_start3A_22 = arith.constant 0 : i32
        %dma_start3A_23 = tpu.memref_slice %arg4[%mul3A_4, %dma_start3A_22] : memref<64x1024xf32, #tpu.memory_space<hbm>> -> memref<16x1024xf32, #tpu.memory_space<hbm>>
        %dma_start3A_24 = arith.constant 0 : i32
        %dma_start3A_25 = tpu.memref_slice %arg4[%mul3A_4, %dma_start3A_24] : memref<64x1024xf32, #tpu.memory_space<hbm>> -> memref<16x1024xf32, #tpu.memory_space<hbm>>
        tpu.enqueue_dma source(%arg7 : memref<16x1024xf32, #tpu.memory_space<vmem>>) target(%dma_start3A_25 : memref<16x1024xf32, #tpu.memory_space<hbm>>) target_semaphore(%run_scoped3A : memref<!tpu.dma_semaphore, #tpu.memory_space<semaphore_mem>>)
        %dma_wait3A_26 = arith.constant 0 : i32
        %dma_wait3A_27 = tpu.memref_slice %arg4[%mul3A_4, %dma_wait3A_26] : memref<64x1024xf32, #tpu.memory_space<hbm>> -> memref<16x1024xf32, #tpu.memory_space<hbm>>
        %dma_wait3A_28 = arith.constant 0 : i32
        %dma_wait3A_29 = tpu.memref_slice %arg4[%mul3A_4, %dma_wait3A_28] : memref<64x1024xf32, #tpu.memory_space<hbm>> -> memref<16x1024xf32, #tpu.memory_space<hbm>>
        tpu.wait_dma2 semaphore(%run_scoped3A : memref<!tpu.dma_semaphore, #tpu.memory_space<semaphore_mem>>) src(%arg7 : memref<16x1024xf32, #tpu.memory_space<vmem>>) dst(%dma_wait3A_29 : memref<16x1024xf32, #tpu.memory_space<hbm>>)
        tpu.yield
      }) : () -> ()
    } else {
    }
    return
  }
}

module attributes {stable_mosaic.version = 14 : i64} {
  func.func @_moe_dense_kernel(%arg0: i32, %arg1: memref<32x1024xf32, #tpu.memory_space<vmem>>, %arg2: memref<1x1024x1024xf32, #tpu.memory_space<vmem>>, %arg3: memref<1x512x1024xf32, #tpu.memory_space<vmem>>, %arg4: memref<1x32x1024xf32, #tpu.memory_space<vmem>>) attributes {dimension_semantics = [#tpu.dimension_semantics<arbitrary>], iteration_bounds = array<i64: 16>, scalar_prefetch = 0 : i64, scratch_operands = 0 : i64, tpu.core_type = #tpu.core_type<tc>, window_params = [{pipeline_mode = #tpu.pipeline_mode<synchronous>, transform_indices = @transform_0, window_bounds = array<i64: 32, 1024>}, {transform_indices = @transform_1, window_bounds = array<i64: 1, 1024, 1024>}, {transform_indices = @transform_2, window_bounds = array<i64: 1, 512, 1024>}, {transform_indices = @transform_3, window_bounds = array<i64: 1, 32, 1024>}]} {
    %get3A = arith.constant 0 : index
    %get3A_0 = arith.constant 0 : index
    %get3A_1 = vector.load %arg1[%get3A, %get3A_0] : memref<32x1024xf32, #tpu.memory_space<vmem>>, vector<32x1024xf32>
    %get3A_2 = arith.constant 0 : index
    %get3A_3 = arith.constant 0 : index
    %get3A_4 = arith.constant 0 : index
    %get3A_5 = vector.load %arg2[%get3A_2, %get3A_3, %get3A_4] : memref<1x1024x1024xf32, #tpu.memory_space<vmem>>, vector<1x1024x1024xf32>
    %get3A_6 = vector.shape_cast %get3A_5 : vector<1x1024x1024xf32> to vector<1024x1024xf32>
    %dot_general3A = arith.constant dense<0.000000e+00> : vector<32x1024xf32>
    %dot_general3A_7 = tpu.matmul %get3A_1, %get3A_6, %dot_general3A {dimension_numbers = #tpu.dot_dimension_numbers<[1], [0], [0], [1], [0, 0, 1, 1], [], []>, transpose_lhs_hint = false} : vector<32x1024xf32>, vector<1024x1024xf32>, vector<32x1024xf32> -> vector<32x1024xf32>
    %slice3A = vector.extract_strided_slice %dot_general3A_7 {offsets = [0, 0], sizes = [32, 512], strides = [1, 1]} : vector<32x1024xf32> to vector<32x512xf32>
    %slice3A_8 = vector.extract_strided_slice %dot_general3A_7 {offsets = [0, 512], sizes = [32, 512], strides = [1, 1]} : vector<32x1024xf32> to vector<32x512xf32>
    %logistic3A = arith.negf %slice3A : vector<32x512xf32>
    %logistic3A_9 = math.exp %logistic3A : vector<32x512xf32>
    %logistic3A_10 = arith.constant 1.000000e+00 : f32
    %logistic3A_11 = vector.broadcast %logistic3A_10 : f32 to vector<32x512xf32>
    %logistic3A_12 = arith.addf %logistic3A_11, %logistic3A_9 : vector<32x512xf32>
    %logistic3A_13 = arith.divf %logistic3A_11, %logistic3A_12 : vector<32x512xf32>
    %mul3A = arith.mulf %slice3A, %logistic3A_13 : vector<32x512xf32>
    %mul3A_14 = arith.mulf %mul3A, %slice3A_8 : vector<32x512xf32>
    %get3A_15 = arith.constant 0 : index
    %get3A_16 = arith.constant 0 : index
    %get3A_17 = arith.constant 0 : index
    %get3A_18 = vector.load %arg3[%get3A_15, %get3A_16, %get3A_17] : memref<1x512x1024xf32, #tpu.memory_space<vmem>>, vector<1x512x1024xf32>
    %get3A_19 = vector.shape_cast %get3A_18 : vector<1x512x1024xf32> to vector<512x1024xf32>
    %dot_general3A_20 = arith.constant dense<0.000000e+00> : vector<32x1024xf32>
    %dot_general3A_21 = tpu.matmul %mul3A_14, %get3A_19, %dot_general3A_20 {dimension_numbers = #tpu.dot_dimension_numbers<[1], [0], [0], [1], [0, 0, 1, 1], [], []>, transpose_lhs_hint = false} : vector<32x512xf32>, vector<512x1024xf32>, vector<32x1024xf32> -> vector<32x1024xf32>
    %swap3A = arith.constant 0 : index
    %swap3A_22 = arith.constant 0 : index
    %swap3A_23 = arith.constant 0 : index
    %swap3A_24 = vector.load %arg4[%swap3A, %swap3A_22, %swap3A_23] : memref<1x32x1024xf32, #tpu.memory_space<vmem>>, vector<1x32x1024xf32>
    %swap3A_25 = vector.shape_cast %swap3A_24 : vector<1x32x1024xf32> to vector<32x1024xf32>
    %swap3A_26 = vector.shape_cast %dot_general3A_21 : vector<32x1024xf32> to vector<1x32x1024xf32>
    tpu.vector_store %arg4[%swap3A, %swap3A_22, %swap3A_23], %swap3A_26 {strides = array<i32>} : memref<1x32x1024xf32, #tpu.memory_space<vmem>>, vector<1x32x1024xf32>,
    return
  }
  func.func @transform_0(%arg0: i32) -> (i32, i32) {
    %c0_i32 = arith.constant 0 : i32
    %c0_i32_0 = arith.constant 0 : i32
    %c0_i32_1 = arith.constant 0 : i32
    return %c0_i32, %c0_i32_0 : i32, i32
  }
  func.func @transform_1(%arg0: i32) -> (i32, i32, i32) {
    %c0_i32 = arith.constant 0 : i32
    %c0_i32_0 = arith.constant 0 : i32
    %c0_i32_1 = arith.constant 0 : i32
    return %arg0, %c0_i32, %c0_i32_0 : i32, i32, i32
  }
  func.func @transform_2(%arg0: i32) -> (i32, i32, i32) {
    %c0_i32 = arith.constant 0 : i32
    %c0_i32_0 = arith.constant 0 : i32
    %c0_i32_1 = arith.constant 0 : i32
    return %arg0, %c0_i32, %c0_i32_0 : i32, i32, i32
  }
  func.func @transform_3(%arg0: i32) -> (i32, i32, i32) {
    %c0_i32 = arith.constant 0 : i32
    %c0_i32_0 = arith.constant 0 : i32
    %c0_i32_1 = arith.constant 0 : i32
    return %arg0, %c0_i32, %c0_i32_0 : i32, i32, i32
  }
}

</mosaic_0001>

<sc_bundles>
// kernel: kernel.4.cloned.1.call-start
scs
__scs_entry_jumppad:
0x0: {  	(pc) =	sbr.rel $0x88, $3  }
0x1: {  	(tag) =	ssettag $0x0;
	lr =	simm.s32 $0x1  }
0x2: {  	[smem:$0x3F9D] =	sst lr;
	_ =	strace $0xD0000000  }
0x3: {  	_ = 	snop  }
0x4: {  	_ = 	snop  }
0x5: {  	_ = 	snop  }
0x6: {  	_ = 	snop  }
0x7: {  	_ = 	snop  }
__scs_overlays_trampoline_lowered:
0x8: {  	[smem:$0x3FAC] =	sst s0  }
0x9: {  	[smem:$0x3FAD] =	sst s1  }
0xa: {  	[smem:$0x3FAE] =	sst s2  }
0xb: {  	[smem:$0x3FAF] =	sst s3  }
0xc: {  	[smem:$0x3FB0] =	sst s4  }
0xd: {  	[smem:$0x3FB1] =	sst s5  }
0xe: {  	[smem:$0x3FB2] =	sst s6  }
0xf: {  	[smem:$0x3FB3] =	sst s7  }
0x10: {  	[smem:$0x3FB4] =	sst s8  }
0x11: {  	[smem:$0x3FB5] =	sst s9;
	s0 =	simm.s32 @!p0 $0x0  }
0x12: {  	s1 =	sld [smem:$0x3F9B];
	s0 =	simm.s32 @p0 $0x1  }
0x13: {  	[smem:$0x3FB6] =	sst s0;
	s0 =	simm.s32 @!p1 $0x0  }
0x14: {  	s2 =	sld [smem:$0x3F9A];
	s0 =	simm.s32 @p1 $0x1  }
0x15: {  	[smem:$0x3FB7] =	sst s0;
	s0 =	simm.s32 @!p2 $0x0  }
0x16: {  	s3 =	sld [smem:$0x3FDB];
	s0 =	simm.s32 @p2 $0x1  }
0x17: {  	s4 =	simm.s32 $0x1BF5;
	[smem:$0x3FB9] =	sst s0  }
0x18: {  	s0 =	sld [smem:$0x3F9C];
	_ =	swait.ge [sflag:s4], $0x0  }
0x19: {  	s7 =	sld [smem:$0x3F9D]  }
0x1a: {  	s8 =	sadd.s32 $0xFFFFE003, lr  }
0x1b: {  	s9 =	sadd.s32 $0xFFFFFEF7, lr;
	s5 =	simm.s32 $0xFFFFFFFF;
	p2 =	slt.u32 s8, $0xFFFFF086  }
0x1c: {  	p1 =	slt.u32 s9, $0xF7A;
	s5 =	simm.s32 @!p2 $0x0  }
0x1d: {  	s5 =	simm.s32 @p1 $0x1;
	p0 =	seq.s32 s7, s2  }
0x1e: {  	s7 =	smul.u32 @!p0 $0xF7A, s2;
	p2 =	seq.s32 @!p0 s5, $0x0  }
0x1f: {  	s9 =	smul.u32 $0xF7A, s1;
	s8 =	simm.s32 @!p0 $0x1BF5;
	p2 =	por !p2, p0  }
0x20: {  	[sflag:s8] =	ssyncset.s32 @!p0 $0xFFFFF086;
	s6 =	sadd.s32 @!p0 s3, s7;
	s7 =	simm.s32 @!p0 $0x108  }
0x21: {  	s3 =	sadd.s32 s3, s9;
	s6 =	sadd.s32 @!p0 $0x88, s6;
	s7 =	simm.s32 @p2 $0x1082  }
0x22: {  	[simem:s7], [sflag:s8] =	dma.local @!p0 [hbm:s6], $0xF7A  }
0x23: {  	s9 =	sor.u32 $0xD0000000, s2;
	s6 =	simm.s32 $0x108;
	_ =	swait.ge @!p0 [sflag:s8], $0x0  }
0x24: {  	s3 =	sadd.s32 $0x88, s3;
	s6 =	simm.s32 @!p1 $0x1082;
	[sflag:s4] =	ssyncset.s32 $0xFFFFF086  }
0x25: {  	[simem:s6], [sflag:s4] =	dma.local [hbm:s3], $0xF7A  }
0x26: {  	[smem:$0x3F9D] =	sst s1;
	(tag) =	ssettag s2;
	_ =	strace s9  }
0x27: {  	s1 =	sld [smem:$0x3FAD]  }
0x28: {  	s2 =	sld [smem:$0x3FAE]  }
0x29: {  	s4 =	sld [smem:$0x3FB0]  }
0x2a: {  	p0 =	seq.s32 s5, $0x0;
	s5 =	sld [smem:$0x3FB1]  }
0x2b: {  	s6 =	sld [smem:$0x3FB2]  }
0x2c: {  	s7 =	sld [smem:$0x3FB3]  }
0x2d: {  	s3 =	simm.s32 $0x108;
	s8 =	sld [smem:$0x3FB4]  }
0x2e: {  	s3 =	simm.s32 @!p0 $0x1082;
	s9 =	sld [smem:$0x3FB5]  }
0x2f: {  	lr =	sadd.s32 s0, s3;
	s0 =	sld [smem:$0x3FAC]  }
0x30: {  	s3 =	sld [smem:$0x3FAF]  }
0x31: {  	[smem:$0x3FB8] =	sst s10  }
0x32: {  	s10 =	sld [smem:$0x3FB6];
	_ =	sdelay $0x3  }
0x33: {  	p0 =	seq.s32 s10, $0x1;
	s10 =	sld [smem:$0x3FB8];
	_ =	sdelay $0x3  }
0x34: {  	[smem:$0x3FB8] =	sst s10  }
0x35: {  	s10 =	sld [smem:$0x3FB7];
	_ =	sdelay $0x3  }
0x36: {  	p1 =	seq.s32 s10, $0x1;
	s10 =	sld [smem:$0x3FB8];
	_ =	sdelay $0x3  }
0x37: {  	[smem:$0x3FB8] =	sst s10  }
0x38: {  	s10 =	sld [smem:$0x3FB9]  }
0x39: {  	_ = 	snop;
	(pc) =	sbr.ind lr, $3  }
0x3a: {  	_ = 	snop  }
0x3b: {  	_ = 	snop  }
0x3c: {  	p2 =	seq.s32 s10, $0x1;
	s10 =	sld [smem:$0x3FB8]  }
0x3d: {  	_ =	shalt  }
0x3e: {  	_ =	shalt  }
0x3f: {  	_ =	shalt  }
0x40: {  	_ =	shalt  }
0x41: {  	_ =	shalt  }
0x42: {  	_ =	shalt  }
0x43: {  	_ =	shalt  }
0x44: {  	_ =	shalt  }
0x45: {  	_ =	shalt  }
0x46: {  	_ =	shalt  }
0x47: {  	_ =	shalt  }
0x48: {  	_ =	shalt  }
0x49: {  	_ =	shalt  }
0x4a: {  	_ =	shalt  }
0x4b: {  	_ =	shalt  }
0x4c: {  	_ =	shalt  }
0x4d: {  	_ =	shalt  }
0x4e: {  	_ =	shalt  }
0x4f: {  	_ =	shalt  }
0x50: {  	_ =	shalt  }
0x51: {  	_ =	shalt  }
0x52: {  	_ =	shalt  }
0x53: {  	_ =	shalt  }
0x54: {  	_ =	shalt  }
0x55: {  	_ =	shalt  }
0x56: {  	_ =	shalt  }
0x57: {  	_ =	shalt  }
0x58: {  	_ =	shalt  }
0x59: {  	_ =	shalt  }
0x5a: {  	_ =	shalt  }
0x5b: {  	_ =	shalt  }
0x5c: {  	_ =	shalt  }
0x5d: {  	_ =	shalt  }
0x5e: {  	_ =	shalt  }
0x5f: {  	_ =	shalt  }
0x60: {  	_ =	shalt  }
0x61: {  	_ =	shalt  }
0x62: {  	_ =	shalt  }
0x63: {  	_ =	shalt  }
0x64: {  	_ =	shalt  }
0x65: {  	_ =	shalt  }
0x66: {  	_ =	shalt  }
0x67: {  	_ =	shalt  }
0x68: {  	_ =	shalt  }
0x69: {  	_ =	shalt  }
0x6a: {  	_ =	shalt  }
0x6b: {  	_ =	shalt  }
0x6c: {  	_ =	shalt  }
0x6d: {  	_ =	shalt  }
0x6e: {  	_ =	shalt  }
0x6f: {  	_ =	shalt  }
0x70: {  	_ =	shalt  }
0x71: {  	_ =	shalt  }
0x72: {  	_ =	shalt  }
0x73: {  	_ =	shalt  }
0x74: {  	_ =	shalt  }
0x75: {  	_ =	shalt  }
0x76: {  	_ =	shalt  }
0x77: {  	_ =	shalt  }
0x78: {  	_ =	shalt  }
0x79: {  	_ =	shalt  }
0x7a: {  	_ =	shalt  }
0x7b: {  	_ =	shalt  }
0x7c: {  	_ =	shalt  }
0x7d: {  	_ =	shalt  }
0x7e: {  	_ =	shalt  }
0x7f: {  	_ =	shalt  }
0x80: {  	_ =	shalt  }
0x81: {  	_ =	shalt  }
0x82: {  	_ =	shalt  }
0x83: {  	_ =	shalt  }
0x84: {  	_ =	shalt  }
0x85: {  	_ =	shalt  }
0x86: {  	_ =	shalt  }
0x87: {  	_ =	shalt  }
.Lfunc_end0:
.L_simem_size_0:
called_computation_lowered:
.L_overlay_start_0:
0x88: {  	s2 =	sld [smem:$0x3FD9]  }
0x89: {  	s3 =	sld [smem:$0x3FFE];
	_ =	sdelay $0x1  }
0x8a: {  	s1 =	srdreg.scid  }
0x8b: {  	s0 =	sand.u32 $0x1, s1  }
0x8c: {  	s17 =	sshll.u32 s0, $0xA;
	s2 =	sadd.s32 s3, s2  }
0x8d: {  	s2 =	sadd.s32 s2, s17  }
0x8e: {  	[smem:$0x3FC4] =	sst s2  }
0x8f: {  	_ = 	snop  }
0x90: {  	s2 =	sld [smem:$0x3FD0];
	(tm) =	ssettm $0x1  }
0x91: {  	s18 =	sld [smem:$0x3FFB];
	_ =	sdelay $0x3  }
0x92: {  	_ =	strace s18  }
0x93: {  	s3 =	sld [smem:$0x3FFC];
	_ =	sdelay $0x3  }
0x94: {  	_ =	strace s3  }
0x95: {  	s3 =	sld [smem:$0x3FFD];
	_ =	sdelay $0x3  }
0x96: {  	_ =	strace s3  }
0x97: {  	_ =	strace $0x8FFFFFFF  }
0x98: {  	s19 =	sld [smem:$0x3FDB];
	_ =	sdelay $0x1  }
0x99: {  	s4 =	simm.s32 $_scs_section_size  }
0x9a: {  	s5 =	simm.s32 $_size__tile_overlayer_lowered;
	s6 =	simm.s32 $_tile_overlayer_lowered  }
0x9b: {  	s22 =	simm.s32 $0x1BFF;
	s21 =	sshll.u32 s6, $0x1;
	s3 =	sadd.s32 s4, s19  }
0x9c: {  	s7 =	simm.s32 $0x0;
	s20 =	sshll.u32 s5, $0x1;
	s5 =	sadd.s32 s21, s3  }
0x9d: {  	[timem:s7], [sflag:s22] =	dma.local [hbm:s5], s20  }
0x9e: {  	_ =	swait.ge [sflag:s22], s20  }
0x9f: {  	s4 =	ssub.s32 $0x0, s20;
	[sflag:s22] =	ssyncset.done $0x0  }
0xa0: {  	[sflag:s22] =	ssyncadd.s32 s4;
	_ =	sdelay $0x1  }
0xa1: {  	s23 =	simm.s32 $0x1B8B  }
0xa2: {  	_ =	swait.ge [sflag:s23], $0x1  }
0xa3: {  	[sflag:s23] =	ssyncset.done $0x0  }
0xa4: {  	s25 =	simm.s32 $0x1B8E;
	s24 =	sld [smem:$0x3FFE];
	[sflag:s23] =	ssyncadd.s32 $0xFFFFFFFF  }
0xa5: {  	s26 =	simm.s32 $execute0_lowered;
	[smem:$0x3FD2] =	sst s25  }
0xa6: {  	s5 =	sshll.u32 s26, $0x1;
	_ =	strace $0x80000046;
	[dreg:$0x1] =	wrdreg $0xFFFFFFFF  }
0xa7: {  	s28 =	simm.s32 $_size_execute0_lowered;
	s3 =	sadd.s32 s3, s5;
	[dreg:$0x0] =	wrdreg $0x0  }
0xa8: {  	s5 =	sshll.u32 s28, $0x1;
	[dreg:$0x2] =	wrdreg s3  }
0xa9: {  	[dreg:$0x3] =	wrdreg s5  }
0xaa: {  	[dreg:$0x4] =	wrdreg $0xC0  }
0xab: {  	_ =	task [dreg:s7], $0x5FFFF  }
0xac: {  	[dreg:$0x1] =	wrdreg $0xFFFFFFFF  }
0xad: {  	[dreg:$0x0] =	wrdreg $0x60  }
0xae: {  	[dreg:$0x2] =	wrdreg s24  }
0xaf: {  	[dreg:$0x3] =	wrdreg s2  }
0xb0: {  	[dreg:$0x4] =	wrdreg $0x9  }
0xb1: {  	_ =	task.clear_ibuf [dreg:s7], $0x5FFFF;
	_ =	strace $0x90000046  }
0xb2: {  	s29 =	simm.s32 $0x9;
	_ =	strace $0x80000048  }
0xb3: {  	_ =	swait.ge [sflag:s29], $0x1  }
0xb4: {  	[sflag:s29] =	ssyncadd.s32 $0xFFFFFFFF  }
0xb5: {  	_ =	strace $0x90000048  }
0xb6: {  	_ =	sfence  }
0xb7: {  	s30 =	sld [smem:$0x0];
	_ =	sdelay $0x2  }
0xb8: {  	s31 =	sshll.u32 s1, $0xD;
	s1 =	sshrl.u32 s1, $0x2  }
0xb9: {  	s3 =	sand.u32 $0x4000, s31;
	s1 =	sadd.s32 s1, s30  }
0xba: {  	s0 =	sor.u32 s3, s0;
	s1 =	sshll.u32 s1, $0x11  }
0xbb: {  	s0 =	sor.u32 s1, s0  }
0xbc: {  	s0 =	sadd.s32 $0x8F2B, s0  }
0xbd: {  	[sflag:s0] =	ssyncadd.remote.s32 $0x1  }
0xbe: {  	_ =	sfence.sel $0xFFFF  }
0xbf: {  	[dreg:$0x0] =	wrdreg $0xFFFFFFFF;
	(pc) =	sbr.abs _section_cstart, $3  }
0xc0: {  	[dreg:$0x1] =	wrdreg $0xFFFFFFFF  }
0xc1: {  	_ =	task.clear_ibuf [dreg:s7], $0x2FFFF;
	_ =	strace $0x9FFFFFFF  }
0xc2: {  	(tm) =	ssettm $0x7FFFFFFF  }
0xc3: {  	_ =	shalt  }
tec
execute0_lowered:
.L_overlay_start_1:
0x0: {  	(tag) =	ssettag $0x1  }
0x1: {  	s1 =	stileid.u32  }
0x2: {  	p0 =	sgt.u32 s1, $0x1  }
.Ltmp0:
0x3: {  	_ = 	snop;
	(pc) =	sbr.rel @p0 .LBB2_4-.Ltmp0, $4  }
0x4: {  	s18 =	rddreg [dreg:$0x0]  }
0x5: {  	s3 =	rddreg [dreg:$0x1];
	s2 =	simm.s32 $0x0  }
0x6: {  	[smem:$0x7FF] =	sst s2  }
0x7: {  	s0 =	rddreg [dreg:$0x2];
	_ =	strace $0x80000047  }
0x8: {  	s4 =	srdreg.scid  }
0x9: {  	s29 =	sshll.u32 s1, $0x1;
	s16 =	sand.u32 $0x1, s4  }
0xa: {  	s19 =	sor.u32 s16, s29  }
0xb: {  	s4 =	sshll.u32 s19, $0x1  }
0xc: {  	s4 =	sadd.s32 s3, s4;
	s3 =	simm.s32 $0x2  }
0xd: {  	[tilespmem:s2], [sflag:$0x2] =	stream.linear.gather [hbm4b:s4+s2], $0x10, $0x38;
	[tilespmem:$0x4100] =	vst v63  }
0xe: {  	_ =	swait.ge [sflag:s3], $0x10  }
0xf: {  	[sflag:s3] =	ssyncset.done $0x0  }
0x10: {  	[sflag:s3] =	ssyncadd.s32 $0xFFFFFFF0  }
0x11: {  	v1 =	vld [tilespmem:$0x0];
	_ =	sdelay $0x2  }
0x12: {  	v4 =	vlaneseq.u32;
	s5 =	sshll.u32 s19, $0x4  }
0x13: {  	v0 =	vor.u32 s5, v4  }
0x14: {  	v0 =	vshrl.u32 v0, $0x1;
	v1 =	vshll.u32 v1, $0x5  }
0x15: {  	v5 =	vadd.s32 v0, v1  }
0x16: {  	v2 =	vshll.u32 v5, $0x3  }
0x17: {  	v1 =	vand.u32 $0x7, v0;
	v3 =	vand.u32 $0xFFFFFFC0, v2  }
0x18: {  	v6 =	vshrl.u32 v4, $0x3;
	v2 =	vand.u32 $0x7, v4;
	v7 =	vor.u32 v1, v3  }
0x19: {  	v3 =	vmul.u32 $0x8, v6;
	v6 =	vperm.xlane v7, v2;
	_ =	sdelay $0x1  }
0x1a: {  	v6 =	vadd.s32 v3, v6;
	_ =	sdelay $0x3  }
0x1b: {  	vm0 =	vmmov $0xffff;
	s6 =	simm.s32 $0x100;
	s5 =	sadd.s32 $0x800, s18;
	[tilespmem:$0x80] =	vst v5  }
0x1c: {  	v4 =	vor.u32 $0x8, v4;
	[tilespmem:s6], [sflag:$0x1] =	stream.indirect_vreg.gather [hbm4b:s5+s2], $0x80, v6, vm0, $0xb8;
	[tilespmem:$0x4100] =	vst v63  }
0x1d: {  	s7 =	sadd.s32 $0x900, s18;
	s8 =	simm.s32 $0x900;
	v5 =	vperm.xlane v7, v4  }
0x1e: {  	[tilespmem:s8], [sflag:$0x1] =	stream.indirect_vreg.gather [hbm4b:s7+s2], $0x80, v6, vm0, $0xb8;
	[tilespmem:$0x4100] =	vst v63  }
0x1f: {  	s9 =	sadd.s32 $0xA00, s18;
	s10 =	simm.s32 $0x1100;
	v5 =	vadd.s32 v3, v5  }
0x20: {  	[tilespmem:s10], [sflag:$0x1] =	stream.indirect_vreg.gather [hbm4b:s9+s2], $0x80, v6, vm0, $0xb8;
	[tilespmem:$0x4100] =	vst v63  }
0x21: {  	s11 =	sadd.s32 $0xB00, s18;
	s12 =	simm.s32 $0x1900  }
0x22: {  	[tilespmem:s12], [sflag:$0x1] =	stream.indirect_vreg.gather [hbm4b:s11+s2], $0x80, v6, vm0, $0xb8;
	[tilespmem:$0x4100] =	vst v63  }
0x23: {  	s13 =	simm.s32 $0x2100;
	s20 =	ssub.s32 $0x2, s16  }
0x24: {  	[tilespmem:s13], [sflag:$0x1] =	stream.indirect_vreg.gather [hbm4b:s5+s2], $0x80, v5, vm0, $0xb8;
	[tilespmem:$0x4100] =	vst v63  }
0x25: {  	s14 =	simm.s32 $0x2900;
	s15 =	simm.s32 $0x3100;
	s21 =	sshrl.u32 s20, $0x1  }
0x26: {  	[tilespmem:s14], [sflag:$0x1] =	stream.indirect_vreg.gather [hbm4b:s7+s2], $0x80, v5, vm0, $0xb8;
	[tilespmem:$0x4100] =	vst v63  }
0x27: {  	s17 =	simm.s32 $0x1;
	s19 =	sshll.u32 s19, $0xB;
	s31 =	ssub.s32 s20, s21  }
0x28: {  	[tilespmem:s15], [sflag:$0x1] =	stream.indirect_vreg.gather [hbm4b:s9+s2], $0x80, v5, vm0, $0xb8;
	[tilespmem:$0x4100] =	vst v63  }
0x29: {  	s16 =	simm.s32 $0x3900;
	s30 =	sadd.s32 s19, s18;
	s19 =	smax.u32 s31, $0x1  }
0x2a: {  	[tilespmem:s16], [sflag:$0x1] =	stream.indirect_vreg.gather [hbm4b:s11+s2], $0x80, v5, vm0, $0xb8;
	[tilespmem:$0x4100] =	vst v63  }
0x2b: {  	p0 =	sne.s32 s19, $0x1;
	_ =	swait.ge [sflag:s17], $0x4000  }
.Ltmp1:
0x2c: {  	[sflag:s17] =	ssyncset.done $0x0;
	(pc) =	sbr.rel @!p0 .LBB2_3-.Ltmp1, $4  }
0x2d: {  	s18 =	sadd.s32 $0x10800, s30;
	[sflag:s17] =	ssyncadd.s32 $0xFFFFC000  }
0x2e: {  	[hbm4b:s18+s2] =	stream.linear.scatter [tilespmem:s6], [sflag:$0x2], $0x4000, $0x38;
	[tilespmem:$0x4100] =	vst v63  }
0x2f: {  	_ =	swait.ge [sflag:s3], $0x4000  }
0x30: {  	s19 =	sadd.s32 $0xFFFFFFFF, s19;
	[sflag:s3] =	ssyncset.done $0x0  }
.LBB2_2:
0x31: {  	p0 =	sne.s32 s19, $0x1;
	s19 =	sadd.s32 $0xFFFFFFFF, s19;
	[sflag:s3] =	ssyncadd.s32 $0xFFFFC000  }
0x32: {  	[tilespmem:s2], [sflag:$0x2] =	stream.linear.gather [hbm4b:s4+s2], $0x10, $0x38;
	[tilespmem:$0x4100] =	vst v63  }
0x33: {  	_ =	swait.ge [sflag:s3], $0x10  }
0x34: {  	[sflag:s3] =	ssyncset.done $0x0  }
0x35: {  	[sflag:s3] =	ssyncadd.s32 $0xFFFFFFF0  }
0x36: {  	v5 =	vld [tilespmem:$0x0];
	_ =	sdelay $0x4  }
0x37: {  	v5 =	vshll.u32 v5, $0x5  }
0x38: {  	v5 =	vadd.s32 v0, v5  }
0x39: {  	v6 =	vshll.u32 v5, $0x3  }
0x3a: {  	v6 =	vand.u32 $0xFFFFFFC0, v6  }
0x3b: {  	v6 =	vor.u32 v1, v6  }
0x3c: {  	v7 =	vperm.xlane v6, v2;
	v6 =	vperm.xlane v6, v4;
	_ =	sdelay $0x1  }
0x3d: {  	v7 =	vadd.s32 v3, v7;
	_ =	sdelay $0x3  }
0x3e: {  	[tilespmem:$0x80] =	vst v5  }
0x3f: {  	[tilespmem:s6], [sflag:$0x1] =	stream.indirect_vreg.gather [hbm4b:s5+s2], $0x80, v7, vm0, $0xb8;
	[tilespmem:$0x4100] =	vst v63  }
0x40: {  	_ = 	snop  }
0x41: {  	[tilespmem:s8], [sflag:$0x1] =	stream.indirect_vreg.gather [hbm4b:s7+s2], $0x80, v7, vm0, $0xb8;
	[tilespmem:$0x4100] =	vst v63  }
0x42: {  	v5 =	vadd.s32 v3, v6  }
0x43: {  	[tilespmem:s10], [sflag:$0x1] =	stream.indirect_vreg.gather [hbm4b:s9+s2], $0x80, v7, vm0, $0xb8;
	[tilespmem:$0x4100] =	vst v63  }
0x44: {  	_ = 	snop  }
0x45: {  	[tilespmem:s12], [sflag:$0x1] =	stream.indirect_vreg.gather [hbm4b:s11+s2], $0x80, v7, vm0, $0xb8;
	[tilespmem:$0x4100] =	vst v63  }
0x46: {  	_ = 	snop  }
0x47: {  	[tilespmem:s13], [sflag:$0x1] =	stream.indirect_vreg.gather [hbm4b:s5+s2], $0x80, v5, vm0, $0xb8;
	[tilespmem:$0x4100] =	vst v63  }
0x48: {  	_ = 	snop  }
0x49: {  	[tilespmem:s14], [sflag:$0x1] =	stream.indirect_vreg.gather [hbm4b:s7+s2], $0x80, v5, vm0, $0xb8;
	[tilespmem:$0x4100] =	vst v63  }
0x4a: {  	_ = 	snop  }
0x4b: {  	[tilespmem:s15], [sflag:$0x1] =	stream.indirect_vreg.gather [hbm4b:s9+s2], $0x80, v5, vm0, $0xb8;
	[tilespmem:$0x4100] =	vst v63  }
0x4c: {  	_ = 	snop  }
0x4d: {  	[tilespmem:s16], [sflag:$0x1] =	stream.indirect_vreg.gather [hbm4b:s11+s2], $0x80, v5, vm0, $0xb8;
	[tilespmem:$0x4100] =	vst v63  }
0x4e: {  	_ =	swait.ge [sflag:s17], $0x4000  }
.Ltmp2:
0x4f: {  	[sflag:s17] =	ssyncset.done $0x0;
	(pc) =	sbr.rel @p0 .LBB2_2-.Ltmp2, $4  }
0x50: {  	[sflag:s17] =	ssyncadd.s32 $0xFFFFC000  }
0x51: {  	[hbm4b:s18+s2] =	stream.linear.scatter [tilespmem:s6], [sflag:$0x2], $0x4000, $0x38;
	[tilespmem:$0x4100] =	vst v63  }
0x52: {  	_ =	swait.ge [sflag:s3], $0x4000  }
0x53: {  	[sflag:s3] =	ssyncset.done $0x0  }
.LBB2_3:
0x54: {  	[sflag:s3] =	ssyncadd.s32 $0xFFFFC000  }
.LBB2_4:
0x55: {  	_ =	sfence.sel $0x180000  }
0x56: {  	[bflag:$0x0] =	sbarrier.arrive $0xFFFF  }
0x57: {  	p0 =	sne.s32 s1, $0x0;
	_ =	strace $0x90000047  }
0x58: {  	s0 =	sadd.s32 @!p0 $0x100000, s0;
	[bflag:$0x2] =	sbarrier.arrive $0xFFFF  }
0x59: {  	[sflag:s0] =	ssyncadd.tile.s32 @!p0 $0x1;
	_ =	shalt  }
.Lfunc_end2:
_tile_overlayer_lowered:
.L_overlay_start_2:
0x5a: {  	(tag) =	ssettag $0x2  }
0x5b: {  	s0 =	rddreg [dreg:$0x0];
	s2 =	stileid.u32  }
0x5c: {  	s1 =	rddreg [dreg:$0x1];
	p0 =	sne.s32 s2, $0x0  }
0x5d: {  	s3 =	rddreg [dreg:$0x2];
	[bflag:$0x3] =	sbarrier.arrive $0xFFFF;
	s2 =	simm.s32 @!p0 $0x1C02  }
0x5e: {  	[timem:s3], [sflag:s2] =	dma.local @!p0 [hbm:s0], s1  }
0x5f: {  	s0 =	simm.s32 @!p0 $0x2  }
0x60: {  	_ =	swait.ge @!p0 [sflag:s0], s1  }
0x61: {  	s1 =	ssub.s32 @!p0 $0x0, s1;
	[sflag:s0] =	ssyncset.done @!p0 $0x0  }
0x62: {  	[sflag:s0] =	ssyncadd.s32 @!p0 s1  }
0x63: {  	[bflag:$0x3] =	sbarrier.arrive $0xFFFF  }
0x64: {  	_ =	shalt  }

</sc_bundles>
